<compile_context>
chip_gen: v7x
topology: tpu7x:2x2x1
jax: 0.10.2.dev20260603
libtpu: 0.0.44.dev20260713+nightly
codegen_flags: <defaults>
</compile_context>

<pallas_src>
import functools

import jax
import jax.numpy as jnp
from jax import lax
from jax.experimental import pallas as pl
from jax.experimental.pallas import tpu as pltpu
from jax.experimental.pallas import tpu_sc as plsc

N = 3200000
NUM_ROWS = 100000
NT = 16
PER_T = N // NT
G = 10000
NG = PER_T // G
L = 16

_mesh = plsc.VectorSubcoreMesh(core_axis_name="c", subcore_axis_name="s")


@functools.partial(
    pl.kernel,
    mesh=_mesh,
    compiler_params=pltpu.CompilerParams(needs_layout_passes=False),
    out_type=(
        jax.ShapeDtypeStruct((N,), jnp.uint32),
        jax.ShapeDtypeStruct((N,), jnp.uint32),
    ),
    scratch_types=[
        pltpu.VMEM((NUM_ROWS,), jnp.int32),
        pltpu.VMEM((G,), jnp.uint32),
        pltpu.VMEM((G,), jnp.int32),
        pltpu.SemaphoreType.DMA,
    ],
)
def _sc_gather(idx_hbm, lo_hbm, hi_hbm, out_lo_hbm, out_hi_hbm,
               plane_v, idx_v, vals_v, sem):
    wid = lax.axis_index("s") * 2 + lax.axis_index("c")
    is_lo = wid < jnp.int32(NT)
    slot = lax.rem(wid, jnp.int32(NT))
    base = slot * jnp.int32(PER_T)

    @pl.when(is_lo)
    def _():
        pltpu.sync_copy(lo_hbm, plane_v)

    @pl.when(jnp.logical_not(is_lo))
    def _():
        pltpu.sync_copy(hi_hbm, plane_v)

    def group(g, carry):
        off = base + g * jnp.int32(G)
        pltpu.sync_copy(idx_hbm.at[pl.ds(off, G)], idx_v)

        @plsc.parallel_loop(jnp.int32(0), jnp.int32(G), step=jnp.int32(L),
                            unroll=16)
        def gbody(i):
            ids = plsc.bitcast(idx_v[pl.ds(i, L)], jnp.int32)
            vals_v[pl.ds(i, L)] = plsc.load_gather(plane_v, [ids])

        @pl.when(is_lo)
        def _():
            pltpu.sync_copy(vals_v, out_lo_hbm.at[pl.ds(off, G)])

        @pl.when(jnp.logical_not(is_lo))
        def _():
            pltpu.sync_copy(vals_v, out_hi_hbm.at[pl.ds(off, G)])

        return carry

    lax.fori_loop(jnp.int32(0), jnp.int32(NG), group, 0)


def kernel(n_id, last_update):
    idx32 = n_id.astype(jnp.uint32)
    table_lo = last_update.astype(jnp.int32)
    table_hi = (last_update >> 32).astype(jnp.int32)
    out_lo, out_hi = _sc_gather(idx32, table_lo, table_hi)
    return (out_hi.astype(jnp.int64) << 32) | out_lo.astype(jnp.int64)

# --- scband reference (transcript-rebuilt; emitter-appended) ---
"""Pipeline reference for scband-last-update-memory-50208167690926 (READ-ONLY COPY).

The authoritative reference and input builder live on the scoring server;
editing this copy changes nothing except your own understanding.
"""

import jax
jax.config.update('jax_enable_x64', True)
import jax.numpy as jnp
import numpy as np

NUM_NODES = 100000
INIT_TIME = 0
N_ID_LEN = 3200000


def setup_inputs(seed: int = 0) -> dict:
    key = jax.random.key(seed)
    n_id = jax.random.randint(key, (N_ID_LEN,), 0, NUM_NODES, dtype=jnp.int64)
    # buffer: last_update = ones(num_nodes, dtype=long) * init_time
    last_update = jnp.ones((NUM_NODES,), dtype=jnp.int64) * INIT_TIME
    return {"n_id": n_id, "last_update": last_update}


def reference(n_id, last_update):
    # forward(n_id): return self.last_update[n_id]
    return jnp.take(last_update, n_id, axis=0)

if __name__ == "__main__":
    import jax
    _d = setup_inputs()
    print(jax.jit(kernel)(*tuple(_d.values())))

</pallas_src>

<mosaic_0001>
#map = affine_map<(d0, d1) -> (0)>
module attributes {stable_mosaic.version = 14 : i64} {
  func.func @_sc_gather(%arg0: i32, %arg1: i32, %arg2: memref<3200000xi32, #tpu.memory_space<hbm>>, %arg3: memref<100000xi32, #tpu.memory_space<hbm>>, %arg4: memref<100000xi32, #tpu.memory_space<hbm>>, %arg5: memref<3200000xi32, #tpu.memory_space<hbm>>, %arg6: memref<3200000xi32, #tpu.memory_space<hbm>>, %arg7: memref<100000xi32, #tpu.memory_space<vmem>>, %arg8: memref<10000xi32, #tpu.memory_space<vmem>>, %arg9: memref<10000xi32, #tpu.memory_space<vmem>>, %arg10: memref<!tpu.dma_semaphore, #tpu.memory_space<semaphore_mem>>) attributes {dimension_semantics = [#tpu.dimension_semantics<core_parallel>, #tpu.dimension_semantics<subcore_parallel>], iteration_bounds = array<i64: 2, 16>, scalar_prefetch = 0 : i64, scratch_operands = 4 : i64, tpu.core_type = #tpu.core_type<sc_vector_subcore>, window_params = [{transform_indices = #map}, {transform_indices = #map}, {transform_indices = #map}, {transform_indices = #map}, {transform_indices = #map}]} {
    %mul3A = arith.constant 2 : i32
    %mul3A_0 = arith.muli %arg1, %mul3A : i32
    %add3A = arith.addi %mul3A_0, %arg0 : i32
    %lt3A = arith.constant 16 : i32
    %lt3A_1 = arith.cmpi slt, %add3A, %lt3A : i32
    %rem3A = arith.constant 16 : i32
    %rem3A_2 = arith.remsi %add3A, %rem3A : i32
    %mul3A_3 = arith.constant 200000 : i32
    %mul3A_4 = arith.muli %rem3A_2, %mul3A_3 : i32
    %convert_element_type3A = arith.extui %lt3A_1 : i1 to i32
    %cond3A = arith.constant 0 : i32
    %cond3A_5 = arith.cmpi ne, %convert_element_type3A, %cond3A : i32
    scf.if %cond3A_5 {
      "tpu.region"() ({
        %run_scoped3A = tpu.sem_alloc : memref<!tpu.dma_semaphore, #tpu.memory_space<semaphore_mem>>
        tpu.enqueue_dma source(%arg3 : memref<100000xi32, #tpu.memory_space<hbm>>) target(%arg7 : memref<100000xi32, #tpu.memory_space<vmem>>) target_semaphore(%run_scoped3A : memref<!tpu.dma_semaphore, #tpu.memory_space<semaphore_mem>>)
        tpu.wait_dma2 semaphore(%run_scoped3A : memref<!tpu.dma_semaphore, #tpu.memory_space<semaphore_mem>>) src(%arg3 : memref<100000xi32, #tpu.memory_space<hbm>>) dst(%arg7 : memref<100000xi32, #tpu.memory_space<vmem>>)
        tpu.yield
      }) : () -> ()
    } else {
    }
    %not3A = arith.constant true
    %not3A_6 = arith.xori %lt3A_1, %not3A : i1
    %convert_element_type3A_7 = arith.extui %not3A_6 : i1 to i32
    %cond3A_8 = arith.constant 0 : i32
    %cond3A_9 = arith.cmpi ne, %convert_element_type3A_7, %cond3A_8 : i32
    scf.if %cond3A_9 {
      "tpu.region"() ({
        %run_scoped3A = tpu.sem_alloc : memref<!tpu.dma_semaphore, #tpu.memory_space<semaphore_mem>>
        tpu.enqueue_dma source(%arg4 : memref<100000xi32, #tpu.memory_space<hbm>>) target(%arg7 : memref<100000xi32, #tpu.memory_space<vmem>>) target_semaphore(%run_scoped3A : memref<!tpu.dma_semaphore, #tpu.memory_space<semaphore_mem>>)
        tpu.wait_dma2 semaphore(%run_scoped3A : memref<!tpu.dma_semaphore, #tpu.memory_space<semaphore_mem>>) src(%arg4 : memref<100000xi32, #tpu.memory_space<hbm>>) dst(%arg7 : memref<100000xi32, #tpu.memory_space<vmem>>)
        tpu.yield
      }) : () -> ()
    } else {
    }
    %while3A = arith.constant 0 : i64
    %while3A_10 = arith.constant 0 : i32
    %while3A_11 = arith.constant 20 : i32
    %while3A_12 = arith.subi %while3A_11, %while3A_10 : i32
    %while3A_13 = arith.addi %while3A_10, %while3A_12 : i32
    %while3A_14 = arith.constant 1 : i32
    %while3A_15 = arith.divsi %while3A_12, %while3A_14 : i32
    %while3A_16 = arith.muli %while3A_15, %while3A_14 : i32
    %while3A_17 = arith.addi %while3A_10, %while3A_16 : i32
    %while3A_18 = arith.constant 1 : i32
    scf.for %while3A_20 = %while3A_10 to %while3A_17 step %while3A_18  : i32 {
      %mul3A_21 = arith.constant 10000 : i32
      %mul3A_22 = arith.muli %while3A_20, %mul3A_21 : i32
      %add3A_23 = arith.addi %mul3A_4, %mul3A_22 : i32
      "tpu.region"() ({
        %run_scoped3A = tpu.sem_alloc : memref<!tpu.dma_semaphore, #tpu.memory_space<semaphore_mem>>
        %dma_start3A = tpu.memref_slice %arg2[%add3A_23] : memref<3200000xi32, #tpu.memory_space<hbm>> -> memref<10000xi32, #tpu.memory_space<hbm>>
        %dma_start3A_34 = tpu.memref_slice %arg2[%add3A_23] : memref<3200000xi32, #tpu.memory_space<hbm>> -> memref<10000xi32, #tpu.memory_space<hbm>>
        tpu.enqueue_dma source(%dma_start3A_34 : memref<10000xi32, #tpu.memory_space<hbm>>) target(%arg8 : memref<10000xi32, #tpu.memory_space<vmem>>) target_semaphore(%run_scoped3A : memref<!tpu.dma_semaphore, #tpu.memory_space<semaphore_mem>>)
        %dma_wait3A = tpu.memref_slice %arg2[%add3A_23] : memref<3200000xi32, #tpu.memory_space<hbm>> -> memref<10000xi32, #tpu.memory_space<hbm>>
        %dma_wait3A_35 = tpu.memref_slice %arg2[%add3A_23] : memref<3200000xi32, #tpu.memory_space<hbm>> -> memref<10000xi32, #tpu.memory_space<hbm>>
        tpu.wait_dma2 semaphore(%run_scoped3A : memref<!tpu.dma_semaphore, #tpu.memory_space<semaphore_mem>>) src(%dma_wait3A_35 : memref<10000xi32, #tpu.memory_space<hbm>>) dst(%arg8 : memref<10000xi32, #tpu.memory_space<vmem>>)
        tpu.yield
      }) : () -> ()
      %parallel_loop3A = arith.constant 0 : i32
      %parallel_loop3A_24 = arith.constant 10000 : i32
      %parallel_loop3A_25 = arith.constant 16 : i32
      scf.for %parallel_loop3A_34 = %parallel_loop3A to %parallel_loop3A_24 step %parallel_loop3A_25  : i32 {
        %parallel_loop3A_35 = arith.index_cast %parallel_loop3A_34 : i32 to index
        %parallel_loop3A_36 = tpu.vector_load %arg8[%parallel_loop3A_35] {strides = array<i32>} : memref<10000xi32, #tpu.memory_space<vmem>>, vector<16xi32>,
        %parallel_loop3A_37 = vector.bitcast %parallel_loop3A_36 : vector<16xi32> to vector<16xi32>
        %parallel_loop3A_38 = tpu.vector_load_idx %arg7[%parallel_loop3A_37] : memref<100000xi32, #tpu.memory_space<vmem>>[vector<16xi32>], vector<16xi32>,
        %parallel_loop3A_39 = arith.index_cast %parallel_loop3A_34 : i32 to index
        %parallel_loop3A_40 = tpu.vector_load %arg9[%parallel_loop3A_39] {strides = array<i32>} : memref<10000xi32, #tpu.memory_space<vmem>>, vector<16xi32>,
        tpu.vector_store %arg9[%parallel_loop3A_39], %parallel_loop3A_38 {strides = array<i32>} : memref<10000xi32, #tpu.memory_space<vmem>>, vector<16xi32>,
      } {sc.loop_unroll_factor = 16 : i64, sc.parallel_access}
      %convert_element_type3A_26 = arith.extui %lt3A_1 : i1 to i32
      %cond3A_27 = arith.constant 0 : i32
      %cond3A_28 = arith.cmpi ne, %convert_element_type3A_26, %cond3A_27 : i32
      scf.if %cond3A_28 {
        "tpu.region"() ({
          %run_scoped3A = tpu.sem_alloc : memref<!tpu.dma_semaphore, #tpu.memory_space<semaphore_mem>>
          %dma_start3A = tpu.memref_slice %arg5[%add3A_23] : memref<3200000xi32, #tpu.memory_space<hbm>> -> memref<10000xi32, #tpu.memory_space<hbm>>
          %dma_start3A_34 = tpu.memref_slice %arg5[%add3A_23] : memref<3200000xi32, #tpu.memory_space<hbm>> -> memref<10000xi32, #tpu.memory_space<hbm>>
          tpu.enqueue_dma source(%arg9 : memref<10000xi32, #tpu.memory_space<vmem>>) target(%dma_start3A_34 : memref<10000xi32, #tpu.memory_space<hbm>>) target_semaphore(%run_scoped3A : memref<!tpu.dma_semaphore, #tpu.memory_space<semaphore_mem>>)
          %dma_wait3A = tpu.memref_slice %arg5[%add3A_23] : memref<3200000xi32, #tpu.memory_space<hbm>> -> memref<10000xi32, #tpu.memory_space<hbm>>
          %dma_wait3A_35 = tpu.memref_slice %arg5[%add3A_23] : memref<3200000xi32, #tpu.memory_space<hbm>> -> memref<10000xi32, #tpu.memory_space<hbm>>
          tpu.wait_dma2 semaphore(%run_scoped3A : memref<!tpu.dma_semaphore, #tpu.memory_space<semaphore_mem>>) src(%arg9 : memref<10000xi32, #tpu.memory_space<vmem>>) dst(%dma_wait3A_35 : memref<10000xi32, #tpu.memory_space<hbm>>)
          tpu.yield
        }) : () -> ()
      } else {
      }
      %not3A_29 = arith.constant true
      %not3A_30 = arith.xori %lt3A_1, %not3A_29 : i1
      %convert_element_type3A_31 = arith.extui %not3A_30 : i1 to i32
      %cond3A_32 = arith.constant 0 : i32
      %cond3A_33 = arith.cmpi ne, %convert_element_type3A_31, %cond3A_32 : i32
      scf.if %cond3A_33 {
        "tpu.region"() ({
          %run_scoped3A = tpu.sem_alloc : memref<!tpu.dma_semaphore, #tpu.memory_space<semaphore_mem>>
          %dma_start3A = tpu.memref_slice %arg6[%add3A_23] : memref<3200000xi32, #tpu.memory_space<hbm>> -> memref<10000xi32, #tpu.memory_space<hbm>>
          %dma_start3A_34 = tpu.memref_slice %arg6[%add3A_23] : memref<3200000xi32, #tpu.memory_space<hbm>> -> memref<10000xi32, #tpu.memory_space<hbm>>
          tpu.enqueue_dma source(%arg9 : memref<10000xi32, #tpu.memory_space<vmem>>) target(%dma_start3A_34 : memref<10000xi32, #tpu.memory_space<hbm>>) target_semaphore(%run_scoped3A : memref<!tpu.dma_semaphore, #tpu.memory_space<semaphore_mem>>)
          %dma_wait3A = tpu.memref_slice %arg6[%add3A_23] : memref<3200000xi32, #tpu.memory_space<hbm>> -> memref<10000xi32, #tpu.memory_space<hbm>>
          %dma_wait3A_35 = tpu.memref_slice %arg6[%add3A_23] : memref<3200000xi32, #tpu.memory_space<hbm>> -> memref<10000xi32, #tpu.memory_space<hbm>>
          tpu.wait_dma2 semaphore(%run_scoped3A : memref<!tpu.dma_semaphore, #tpu.memory_space<semaphore_mem>>) src(%arg9 : memref<10000xi32, #tpu.memory_space<vmem>>) dst(%dma_wait3A_35 : memref<10000xi32, #tpu.memory_space<hbm>>)
          tpu.yield
        }) : () -> ()
      } else {
      }
    }
    %while3A_19 = arith.constant 1 : i32
    scf.for %while3A_20 = %while3A_17 to %while3A_13 step %while3A_19  : i32 {
      %mul3A_21 = arith.constant 10000 : i32
      %mul3A_22 = arith.muli %while3A_20, %mul3A_21 : i32
      %add3A_23 = arith.addi %mul3A_4, %mul3A_22 : i32
      "tpu.region"() ({
        %run_scoped3A = tpu.sem_alloc : memref<!tpu.dma_semaphore, #tpu.memory_space<semaphore_mem>>
        %dma_start3A = tpu.memref_slice %arg2[%add3A_23] : memref<3200000xi32, #tpu.memory_space<hbm>> -> memref<10000xi32, #tpu.memory_space<hbm>>
        %dma_start3A_34 = tpu.memref_slice %arg2[%add3A_23] : memref<3200000xi32, #tpu.memory_space<hbm>> -> memref<10000xi32, #tpu.memory_space<hbm>>
        tpu.enqueue_dma source(%dma_start3A_34 : memref<10000xi32, #tpu.memory_space<hbm>>) target(%arg8 : memref<10000xi32, #tpu.memory_space<vmem>>) target_semaphore(%run_scoped3A : memref<!tpu.dma_semaphore, #tpu.memory_space<semaphore_mem>>)
        %dma_wait3A = tpu.memref_slice %arg2[%add3A_23] : memref<3200000xi32, #tpu.memory_space<hbm>> -> memref<10000xi32, #tpu.memory_space<hbm>>
        %dma_wait3A_35 = tpu.memref_slice %arg2[%add3A_23] : memref<3200000xi32, #tpu.memory_space<hbm>> -> memref<10000xi32, #tpu.memory_space<hbm>>
        tpu.wait_dma2 semaphore(%run_scoped3A : memref<!tpu.dma_semaphore, #tpu.memory_space<semaphore_mem>>) src(%dma_wait3A_35 : memref<10000xi32, #tpu.memory_space<hbm>>) dst(%arg8 : memref<10000xi32, #tpu.memory_space<vmem>>)
        tpu.yield
      }) : () -> ()
      %parallel_loop3A = arith.constant 0 : i32
      %parallel_loop3A_24 = arith.constant 10000 : i32
      %parallel_loop3A_25 = arith.constant 16 : i32
      scf.for %parallel_loop3A_34 = %parallel_loop3A to %parallel_loop3A_24 step %parallel_loop3A_25  : i32 {
        %parallel_loop3A_35 = arith.index_cast %parallel_loop3A_34 : i32 to index
        %parallel_loop3A_36 = tpu.vector_load %arg8[%parallel_loop3A_35] {strides = array<i32>} : memref<10000xi32, #tpu.memory_space<vmem>>, vector<16xi32>,
        %parallel_loop3A_37 = vector.bitcast %parallel_loop3A_36 : vector<16xi32> to vector<16xi32>
        %parallel_loop3A_38 = tpu.vector_load_idx %arg7[%parallel_loop3A_37] : memref<100000xi32, #tpu.memory_space<vmem>>[vector<16xi32>], vector<16xi32>,
        %parallel_loop3A_39 = arith.index_cast %parallel_loop3A_34 : i32 to index
        %parallel_loop3A_40 = tpu.vector_load %arg9[%parallel_loop3A_39] {strides = array<i32>} : memref<10000xi32, #tpu.memory_space<vmem>>, vector<16xi32>,
        tpu.vector_store %arg9[%parallel_loop3A_39], %parallel_loop3A_38 {strides = array<i32>} : memref<10000xi32, #tpu.memory_space<vmem>>, vector<16xi32>,
      } {sc.loop_unroll_factor = 16 : i64, sc.parallel_access}
      %convert_element_type3A_26 = arith.extui %lt3A_1 : i1 to i32
      %cond3A_27 = arith.constant 0 : i32
      %cond3A_28 = arith.cmpi ne, %convert_element_type3A_26, %cond3A_27 : i32
      scf.if %cond3A_28 {
        "tpu.region"() ({
          %run_scoped3A = tpu.sem_alloc : memref<!tpu.dma_semaphore, #tpu.memory_space<semaphore_mem>>
          %dma_start3A = tpu.memref_slice %arg5[%add3A_23] : memref<3200000xi32, #tpu.memory_space<hbm>> -> memref<10000xi32, #tpu.memory_space<hbm>>
          %dma_start3A_34 = tpu.memref_slice %arg5[%add3A_23] : memref<3200000xi32, #tpu.memory_space<hbm>> -> memref<10000xi32, #tpu.memory_space<hbm>>
          tpu.enqueue_dma source(%arg9 : memref<10000xi32, #tpu.memory_space<vmem>>) target(%dma_start3A_34 : memref<10000xi32, #tpu.memory_space<hbm>>) target_semaphore(%run_scoped3A : memref<!tpu.dma_semaphore, #tpu.memory_space<semaphore_mem>>)
          %dma_wait3A = tpu.memref_slice %arg5[%add3A_23] : memref<3200000xi32, #tpu.memory_space<hbm>> -> memref<10000xi32, #tpu.memory_space<hbm>>
          %dma_wait3A_35 = tpu.memref_slice %arg5[%add3A_23] : memref<3200000xi32, #tpu.memory_space<hbm>> -> memref<10000xi32, #tpu.memory_space<hbm>>
          tpu.wait_dma2 semaphore(%run_scoped3A : memref<!tpu.dma_semaphore, #tpu.memory_space<semaphore_mem>>) src(%arg9 : memref<10000xi32, #tpu.memory_space<vmem>>) dst(%dma_wait3A_35 : memref<10000xi32, #tpu.memory_space<hbm>>)
          tpu.yield
        }) : () -> ()
      } else {
      }
      %not3A_29 = arith.constant true
      %not3A_30 = arith.xori %lt3A_1, %not3A_29 : i1
      %convert_element_type3A_31 = arith.extui %not3A_30 : i1 to i32
      %cond3A_32 = arith.constant 0 : i32
      %cond3A_33 = arith.cmpi ne, %convert_element_type3A_31, %cond3A_32 : i32
      scf.if %cond3A_33 {
        "tpu.region"() ({
          %run_scoped3A = tpu.sem_alloc : memref<!tpu.dma_semaphore, #tpu.memory_space<semaphore_mem>>
          %dma_start3A = tpu.memref_slice %arg6[%add3A_23] : memref<3200000xi32, #tpu.memory_space<hbm>> -> memref<10000xi32, #tpu.memory_space<hbm>>
          %dma_start3A_34 = tpu.memref_slice %arg6[%add3A_23] : memref<3200000xi32, #tpu.memory_space<hbm>> -> memref<10000xi32, #tpu.memory_space<hbm>>
          tpu.enqueue_dma source(%arg9 : memref<10000xi32, #tpu.memory_space<vmem>>) target(%dma_start3A_34 : memref<10000xi32, #tpu.memory_space<hbm>>) target_semaphore(%run_scoped3A : memref<!tpu.dma_semaphore, #tpu.memory_space<semaphore_mem>>)
          %dma_wait3A = tpu.memref_slice %arg6[%add3A_23] : memref<3200000xi32, #tpu.memory_space<hbm>> -> memref<10000xi32, #tpu.memory_space<hbm>>
          %dma_wait3A_35 = tpu.memref_slice %arg6[%add3A_23] : memref<3200000xi32, #tpu.memory_space<hbm>> -> memref<10000xi32, #tpu.memory_space<hbm>>
          tpu.wait_dma2 semaphore(%run_scoped3A : memref<!tpu.dma_semaphore, #tpu.memory_space<semaphore_mem>>) src(%arg9 : memref<10000xi32, #tpu.memory_space<vmem>>) dst(%dma_wait3A_35 : memref<10000xi32, #tpu.memory_space<hbm>>)
          tpu.yield
        }) : () -> ()
      } else {
      }
    }
    return
  }
}

</mosaic_0001>

<sc_bundles>
// kernel: kernel.3.cloned.1.call-start
scs
__scs_entry_jumppad:
0x0: {  	(pc) =	sbr.rel $0x88, $3  }
0x1: {  	(tag) =	ssettag $0x0;
	lr =	simm.s32 $0x1  }
0x2: {  	[smem:$0x3F9F] =	sst lr;
	_ =	strace $0xD0000000  }
0x3: {  	_ = 	snop  }
0x4: {  	_ = 	snop  }
0x5: {  	_ = 	snop  }
0x6: {  	_ = 	snop  }
0x7: {  	_ = 	snop  }
__scs_overlays_trampoline_lowered:
0x8: {  	[smem:$0x3FAE] =	sst s0  }
0x9: {  	[smem:$0x3FAF] =	sst s1  }
0xa: {  	[smem:$0x3FB0] =	sst s2  }
0xb: {  	[smem:$0x3FB1] =	sst s3  }
0xc: {  	[smem:$0x3FB2] =	sst s4  }
0xd: {  	[smem:$0x3FB3] =	sst s5  }
0xe: {  	[smem:$0x3FB4] =	sst s6  }
0xf: {  	[smem:$0x3FB5] =	sst s7  }
0x10: {  	[smem:$0x3FB6] =	sst s8  }
0x11: {  	[smem:$0x3FB7] =	sst s9;
	s0 =	simm.s32 @!p0 $0x0  }
0x12: {  	s1 =	sld [smem:$0x3F9D];
	s0 =	simm.s32 @p0 $0x1  }
0x13: {  	[smem:$0x3FB8] =	sst s0;
	s0 =	simm.s32 @!p1 $0x0  }
0x14: {  	s2 =	sld [smem:$0x3F9C];
	s0 =	simm.s32 @p1 $0x1  }
0x15: {  	[smem:$0x3FB9] =	sst s0;
	s0 =	simm.s32 @!p2 $0x0  }
0x16: {  	s3 =	sld [smem:$0x3FDB];
	s0 =	simm.s32 @p2 $0x1  }
0x17: {  	s4 =	simm.s32 $0x1BF5;
	[smem:$0x3FBB] =	sst s0  }
0x18: {  	s0 =	sld [smem:$0x3F9E];
	_ =	swait.ge [sflag:s4], $0x0  }
0x19: {  	s7 =	sld [smem:$0x3F9F]  }
0x1a: {  	s8 =	sadd.s32 $0xFFFFE003, lr  }
0x1b: {  	s9 =	sadd.s32 $0xFFFFFEF7, lr;
	s5 =	simm.s32 $0xFFFFFFFF;
	p2 =	slt.u32 s8, $0xFFFFF086  }
0x1c: {  	p1 =	slt.u32 s9, $0xF7A;
	s5 =	simm.s32 @!p2 $0x0  }
0x1d: {  	s5 =	simm.s32 @p1 $0x1;
	p0 =	seq.s32 s7, s2  }
0x1e: {  	s7 =	smul.u32 @!p0 $0xF7A, s2;
	p2 =	seq.s32 @!p0 s5, $0x0  }
0x1f: {  	s9 =	smul.u32 $0xF7A, s1;
	s8 =	simm.s32 @!p0 $0x1BF5;
	p2 =	por !p2, p0  }
0x20: {  	[sflag:s8] =	ssyncset.s32 @!p0 $0xFFFFF086;
	s6 =	sadd.s32 @!p0 s3, s7;
	s7 =	simm.s32 @!p0 $0x108  }
0x21: {  	s3 =	sadd.s32 s3, s9;
	s6 =	sadd.s32 @!p0 $0x88, s6;
	s7 =	simm.s32 @p2 $0x1082  }
0x22: {  	[simem:s7], [sflag:s8] =	dma.local @!p0 [hbm:s6], $0xF7A  }
0x23: {  	s9 =	sor.u32 $0xD0000000, s2;
	s6 =	simm.s32 $0x108;
	_ =	swait.ge @!p0 [sflag:s8], $0x0  }
0x24: {  	s3 =	sadd.s32 $0x88, s3;
	s6 =	simm.s32 @!p1 $0x1082;
	[sflag:s4] =	ssyncset.s32 $0xFFFFF086  }
0x25: {  	[simem:s6], [sflag:s4] =	dma.local [hbm:s3], $0xF7A  }
0x26: {  	[smem:$0x3F9F] =	sst s1;
	(tag) =	ssettag s2;
	_ =	strace s9  }
0x27: {  	s1 =	sld [smem:$0x3FAF]  }
0x28: {  	s2 =	sld [smem:$0x3FB0]  }
0x29: {  	s4 =	sld [smem:$0x3FB2]  }
0x2a: {  	p0 =	seq.s32 s5, $0x0;
	s5 =	sld [smem:$0x3FB3]  }
0x2b: {  	s6 =	sld [smem:$0x3FB4]  }
0x2c: {  	s7 =	sld [smem:$0x3FB5]  }
0x2d: {  	s3 =	simm.s32 $0x108;
	s8 =	sld [smem:$0x3FB6]  }
0x2e: {  	s3 =	simm.s32 @!p0 $0x1082;
	s9 =	sld [smem:$0x3FB7]  }
0x2f: {  	lr =	sadd.s32 s0, s3;
	s0 =	sld [smem:$0x3FAE]  }
0x30: {  	s3 =	sld [smem:$0x3FB1]  }
0x31: {  	[smem:$0x3FBA] =	sst s10  }
0x32: {  	s10 =	sld [smem:$0x3FB8];
	_ =	sdelay $0x3  }
0x33: {  	p0 =	seq.s32 s10, $0x1;
	s10 =	sld [smem:$0x3FBA];
	_ =	sdelay $0x3  }
0x34: {  	[smem:$0x3FBA] =	sst s10  }
0x35: {  	s10 =	sld [smem:$0x3FB9];
	_ =	sdelay $0x3  }
0x36: {  	p1 =	seq.s32 s10, $0x1;
	s10 =	sld [smem:$0x3FBA];
	_ =	sdelay $0x3  }
0x37: {  	[smem:$0x3FBA] =	sst s10  }
0x38: {  	s10 =	sld [smem:$0x3FBB]  }
0x39: {  	_ = 	snop;
	(pc) =	sbr.ind lr, $3  }
0x3a: {  	_ = 	snop  }
0x3b: {  	_ = 	snop  }
0x3c: {  	p2 =	seq.s32 s10, $0x1;
	s10 =	sld [smem:$0x3FBA]  }
0x3d: {  	_ =	shalt  }
0x3e: {  	_ =	shalt  }
0x3f: {  	_ =	shalt  }
0x40: {  	_ =	shalt  }
0x41: {  	_ =	shalt  }
0x42: {  	_ =	shalt  }
0x43: {  	_ =	shalt  }
0x44: {  	_ =	shalt  }
0x45: {  	_ =	shalt  }
0x46: {  	_ =	shalt  }
0x47: {  	_ =	shalt  }
0x48: {  	_ =	shalt  }
0x49: {  	_ =	shalt  }
0x4a: {  	_ =	shalt  }
0x4b: {  	_ =	shalt  }
0x4c: {  	_ =	shalt  }
0x4d: {  	_ =	shalt  }
0x4e: {  	_ =	shalt  }
0x4f: {  	_ =	shalt  }
0x50: {  	_ =	shalt  }
0x51: {  	_ =	shalt  }
0x52: {  	_ =	shalt  }
0x53: {  	_ =	shalt  }
0x54: {  	_ =	shalt  }
0x55: {  	_ =	shalt  }
0x56: {  	_ =	shalt  }
0x57: {  	_ =	shalt  }
0x58: {  	_ =	shalt  }
0x59: {  	_ =	shalt  }
0x5a: {  	_ =	shalt  }
0x5b: {  	_ =	shalt  }
0x5c: {  	_ =	shalt  }
0x5d: {  	_ =	shalt  }
0x5e: {  	_ =	shalt  }
0x5f: {  	_ =	shalt  }
0x60: {  	_ =	shalt  }
0x61: {  	_ =	shalt  }
0x62: {  	_ =	shalt  }
0x63: {  	_ =	shalt  }
0x64: {  	_ =	shalt  }
0x65: {  	_ =	shalt  }
0x66: {  	_ =	shalt  }
0x67: {  	_ =	shalt  }
0x68: {  	_ =	shalt  }
0x69: {  	_ =	shalt  }
0x6a: {  	_ =	shalt  }
0x6b: {  	_ =	shalt  }
0x6c: {  	_ =	shalt  }
0x6d: {  	_ =	shalt  }
0x6e: {  	_ =	shalt  }
0x6f: {  	_ =	shalt  }
0x70: {  	_ =	shalt  }
0x71: {  	_ =	shalt  }
0x72: {  	_ =	shalt  }
0x73: {  	_ =	shalt  }
0x74: {  	_ =	shalt  }
0x75: {  	_ =	shalt  }
0x76: {  	_ =	shalt  }
0x77: {  	_ =	shalt  }
0x78: {  	_ =	shalt  }
0x79: {  	_ =	shalt  }
0x7a: {  	_ =	shalt  }
0x7b: {  	_ =	shalt  }
0x7c: {  	_ =	shalt  }
0x7d: {  	_ =	shalt  }
0x7e: {  	_ =	shalt  }
0x7f: {  	_ =	shalt  }
0x80: {  	_ =	shalt  }
0x81: {  	_ =	shalt  }
0x82: {  	_ =	shalt  }
0x83: {  	_ =	shalt  }
0x84: {  	_ =	shalt  }
0x85: {  	_ =	shalt  }
0x86: {  	_ =	shalt  }
0x87: {  	_ =	shalt  }
.Lfunc_end0:
.L_simem_size_0:
called_computation_lowered:
.L_overlay_start_0:
0x88: {  	s2 =	sld [smem:$0x3FD9]  }
0x89: {  	s3 =	sld [smem:$0x3FFE];
	_ =	sdelay $0x1  }
0x8a: {  	s1 =	srdreg.scid  }
0x8b: {  	s0 =	sand.u32 $0x1, s1  }
0x8c: {  	s17 =	sshll.u32 s0, $0xA;
	s2 =	sadd.s32 s3, s2  }
0x8d: {  	s2 =	sadd.s32 s2, s17  }
0x8e: {  	[smem:$0x3FC6] =	sst s2  }
0x8f: {  	_ = 	snop  }
0x90: {  	s2 =	sld [smem:$0x3FD0];
	(tm) =	ssettm $0x1  }
0x91: {  	s18 =	sld [smem:$0x3FFB];
	_ =	sdelay $0x3  }
0x92: {  	_ =	strace s18  }
0x93: {  	s3 =	sld [smem:$0x3FFC];
	_ =	sdelay $0x3  }
0x94: {  	_ =	strace s3  }
0x95: {  	s3 =	sld [smem:$0x3FFD];
	_ =	sdelay $0x3  }
0x96: {  	_ =	strace s3  }
0x97: {  	_ =	strace $0x8FFFFFFF  }
0x98: {  	s19 =	sld [smem:$0x3FDB];
	_ =	sdelay $0x1  }
0x99: {  	s4 =	simm.s32 $_scs_section_size  }
0x9a: {  	s5 =	simm.s32 $_size__tile_overlayer_lowered;
	s6 =	simm.s32 $_tile_overlayer_lowered  }
0x9b: {  	s22 =	simm.s32 $0x1BFF;
	s21 =	sshll.u32 s6, $0x1;
	s3 =	sadd.s32 s4, s19  }
0x9c: {  	s7 =	simm.s32 $0x0;
	s20 =	sshll.u32 s5, $0x1;
	s5 =	sadd.s32 s21, s3  }
0x9d: {  	[timem:s7], [sflag:s22] =	dma.local [hbm:s5], s20  }
0x9e: {  	_ =	swait.ge [sflag:s22], s20  }
0x9f: {  	s4 =	ssub.s32 $0x0, s20;
	[sflag:s22] =	ssyncset.done $0x0  }
0xa0: {  	[sflag:s22] =	ssyncadd.s32 s4;
	_ =	sdelay $0x1  }
0xa1: {  	s23 =	simm.s32 $0x1B8B  }
0xa2: {  	_ =	swait.ge [sflag:s23], $0x1  }
0xa3: {  	[sflag:s23] =	ssyncset.done $0x0  }
0xa4: {  	s25 =	simm.s32 $0x1B8E;
	s24 =	sld [smem:$0x3FFE];
	[sflag:s23] =	ssyncadd.s32 $0xFFFFFFFF  }
0xa5: {  	s26 =	simm.s32 $execute0_lowered;
	[smem:$0x3FD2] =	sst s25  }
0xa6: {  	s5 =	sshll.u32 s26, $0x1;
	_ =	strace $0x80000046;
	[dreg:$0x1] =	wrdreg $0xFFFFFFFF  }
0xa7: {  	s28 =	simm.s32 $_size_execute0_lowered;
	s3 =	sadd.s32 s3, s5;
	[dreg:$0x0] =	wrdreg $0x0  }
0xa8: {  	s5 =	sshll.u32 s28, $0x1;
	[dreg:$0x2] =	wrdreg s3  }
0xa9: {  	[dreg:$0x3] =	wrdreg s5  }
0xaa: {  	[dreg:$0x4] =	wrdreg $0xC0  }
0xab: {  	_ =	task [dreg:s7], $0x5FFFF  }
0xac: {  	[dreg:$0x1] =	wrdreg $0xFFFFFFFF  }
0xad: {  	[dreg:$0x0] =	wrdreg $0x60  }
0xae: {  	[dreg:$0x2] =	wrdreg s2  }
0xaf: {  	[dreg:$0x3] =	wrdreg s24  }
0xb0: {  	[dreg:$0x4] =	wrdreg $0x9  }
0xb1: {  	_ =	task.clear_ibuf [dreg:s7], $0x5FFFF;
	_ =	strace $0x90000046  }
0xb2: {  	s29 =	simm.s32 $0x9;
	_ =	strace $0x80000048  }
0xb3: {  	_ =	swait.ge [sflag:s29], $0x1  }
0xb4: {  	[sflag:s29] =	ssyncadd.s32 $0xFFFFFFFF  }
0xb5: {  	_ =	strace $0x90000048  }
0xb6: {  	_ =	sfence  }
0xb7: {  	s30 =	sld [smem:$0x0];
	_ =	sdelay $0x2  }
0xb8: {  	s31 =	sshll.u32 s1, $0xD;
	s1 =	sshrl.u32 s1, $0x2  }
0xb9: {  	s3 =	sand.u32 $0x4000, s31;
	s1 =	sadd.s32 s1, s30  }
0xba: {  	s0 =	sor.u32 s3, s0;
	s1 =	sshll.u32 s1, $0x11  }
0xbb: {  	s0 =	sor.u32 s1, s0  }
0xbc: {  	s0 =	sadd.s32 $0x8F2B, s0  }
0xbd: {  	[sflag:s0] =	ssyncadd.remote.s32 $0x1  }
0xbe: {  	_ =	sfence.sel $0xFFFF  }
0xbf: {  	[dreg:$0x0] =	wrdreg $0xFFFFFFFF;
	(pc) =	sbr.abs _section_cstart, $3  }
0xc0: {  	[dreg:$0x1] =	wrdreg $0xFFFFFFFF  }
0xc1: {  	_ =	task.clear_ibuf [dreg:s7], $0x2FFFF;
	_ =	strace $0x9FFFFFFF  }
0xc2: {  	(tm) =	ssettm $0x7FFFFFFF  }
0xc3: {  	_ =	shalt  }
tec
execute0_lowered:
.L_overlay_start_1:
0x0: {  	(tag) =	ssettag $0x1  }
0x1: {  	s1 =	rddreg [dreg:$0x0]  }
0x2: {  	s8 =	rddreg [dreg:$0x1]  }
0x3: {  	s0 =	rddreg [dreg:$0x2]  }
0x4: {  	s3 =	simm.s32 $0x0;
	s4 =	srdreg.scid;
	s2 =	stileid.u32  }
0x5: {  	s11 =	simm.s32 $0x2;
	s12 =	simm.s32 $0x0;
	[smem:$0x7FF] =	sst s3  }
0x6: {  	s6 =	sand.u32 $0x1, s4;
	s4 =	sadd.s32 $0x6E00, s8;
	s9 =	sshll.u32 s2, $0x1  }
0x7: {  	s5 =	sadd.s32 $0x68A00, s8;
	p0 =	sgt.u32 s2, $0x7;
	s7 =	ssub.s32 $0x2, s6  }
0x8: {  	_ =	strace $0x80000047;
	s9 =	sand.u32 $0xE, s9;
	s10 =	sshrl.u32 s7, $0x1  }
0x9: {  	s6 =	sor.u32 s6, s9;
	s9 =	simm.s32 $0xA00;
	s7 =	ssub.s32 s7, s10  }
0xa: {  	s6 =	smul.u32 $0x30D40, s6;
	s9 =	simm.s32 @!p0 $0x3C00;
	s10 =	simm.s32 $0x18700  }
0xb: {  	s7 =	smax.u32 s7, $0x1;
	s8 =	sadd.s32 s9, s8;
	s9 =	simm.s32 $0x1  }
.LBB2_1:
0xc: {  	[tilespmem:s3], [sflag:$0x1] =	stream.linear.gather [hbm4b:s8+s3], $0x18700, $0x38;
	[tilespmem:$0x1D600] =	vst v63  }
0xd: {  	_ =	swait.ge [sflag:s9], $0x18700  }
0xe: {  	[sflag:s9] =	ssyncset.done $0x0  }
0xf: {  	s13 =	simm.s32 $0x0;
	[sflag:s9] =	ssyncadd.s32 $0xFFFE7900  }
.LBB2_2:
0x10: {  	s14 =	smul.u32 $0x2710, s13;
	_ =	sdelay $0x1  }
0x11: {  	s14 =	sadd.s32 s6, s14  }
0x12: {  	s14 =	sshrl.u32 s14, $0x3  }
0x13: {  	s15 =	sadd.s32 s1, s14  }
0x14: {  	[tilespmem:s10], [sflag:$0x2] =	stream.linear.gather [hbm4b:s15+s3], $0x2710, $0x38;
	[tilespmem:$0x1D600] =	vst v63  }
0x15: {  	_ =	swait.ge [sflag:s11], $0x2710  }
0x16: {  	[sflag:s11] =	ssyncset.done $0x0  }
0x17: {  	s31 =	simm.s32 $0x18780;
	[sflag:s11] =	ssyncadd.s32 $0xFFFFD8F0  }
0x18: {  	v0 =	vld [tilespmem:s31+$0x70]  }
0x19: {  	v1 =	vld [tilespmem:s31+$0xFFFFFF90]  }
0x1a: {  	v2 =	vld [tilespmem:s31+$0xFFFFFFA0]  }
0x1b: {  	v3 =	vld [tilespmem:s31+$0xFFFFFFB0]  }
0x1c: {  	v4 =	vld [tilespmem:s31+$0xFFFFFFC0]  }
0x1d: {  	v5 =	vld [tilespmem:s31+$0xFFFFFFD0]  }
0x1e: {  	v6 =	vld [tilespmem:s31+$0xFFFFFFE0]  }
0x1f: {  	v7 =	vld [tilespmem:s31+$0xFFFFFFF0]  }
0x20: {  	v8 =	vld [tilespmem:s31+$0x0]  }
0x21: {  	v9 =	vld [tilespmem:s31+$0x10]  }
0x22: {  	v10 =	vld [tilespmem:s31+$0x20]  }
0x23: {  	v11 =	vld [tilespmem:s31+$0x30]  }
0x24: {  	v12 =	vld [tilespmem:s31+$0x40]  }
0x25: {  	v13 =	vld [tilespmem:s31+$0x50]  }
0x26: {  	v14 =	vld [tilespmem:s31+$0x60]  }
0x27: {  	v15 =	vld [tilespmem:s31+$0xFFFFFF80]  }
0x28: {  	v0 =	vld.idx.msk [tilespmem:v0+s3+$0x0], $0xffff  }
0x29: {  	v1 =	vld.idx.msk [tilespmem:v1+s3+$0x0], $0xffff  }
0x2a: {  	v2 =	vld.idx.msk [tilespmem:v2+s3+$0x0], $0xffff  }
0x2b: {  	v3 =	vld.idx.msk [tilespmem:v3+s3+$0x0], $0xffff  }
0x2c: {  	v4 =	vld.idx.msk [tilespmem:v4+s3+$0x0], $0xffff  }
0x2d: {  	s15 =	simm.s32 $0x1AF00;
	v5 =	vld.idx.msk [tilespmem:v5+s3+$0x0], $0xffff  }
0x2e: {  	v6 =	vld.idx.msk [tilespmem:v6+s3+$0x0], $0xffff;
	[tilespmem:s15+$0x70] =	vst v0  }
0x2f: {  	v7 =	vld.idx.msk [tilespmem:v7+s3+$0x0], $0xffff;
	[tilespmem:s15+$0xFFFFFF90] =	vst v1  }
0x30: {  	v15 =	vld.idx.msk [tilespmem:v15+s3+$0x0], $0xffff;
	[tilespmem:s15+$0xFFFFFFA0] =	vst v2  }
0x31: {  	v8 =	vld.idx.msk [tilespmem:v8+s3+$0x0], $0xffff;
	[tilespmem:s15+$0xFFFFFFB0] =	vst v3  }
0x32: {  	[tilespmem:s15+$0xFFFFFFC0] =	vst v4;
	v0 =	vld.idx.msk [tilespmem:v9+s3+$0x0], $0xffff  }
0x33: {  	[tilespmem:s15+$0xFFFFFFD0] =	vst v5;
	v1 =	vld.idx.msk [tilespmem:v10+s3+$0x0], $0xffff  }
0x34: {  	[tilespmem:s15+$0xFFFFFFE0] =	vst v6;
	v2 =	vld.idx.msk [tilespmem:v11+s3+$0x0], $0xffff  }
0x35: {  	[tilespmem:s15+$0xFFFFFFF0] =	vst v7;
	v3 =	vld.idx.msk [tilespmem:v12+s3+$0x0], $0xffff  }
0x36: {  	[tilespmem:s15+$0xFFFFFF80] =	vst v15;
	v4 =	vld.idx.msk [tilespmem:v13+s3+$0x0], $0xffff  }
0x37: {  	s16 =	simm.s32 $0x0;
	s17 =	simm.s32 $0x18880;
	[tilespmem:s15+$0x0] =	vst v8;
	v5 =	vld.idx.msk [tilespmem:v14+s3+$0x0], $0xffff  }
.LBB2_3:
0x38: {  	v6 =	vld [tilespmem:s17+$0x70];
	s16 =	sadd.s32 $0x100, s16;
	[tilespmem:s15+$0x10] =	vst v0  }
0x39: {  	v0 =	vld [tilespmem:s17+$0xFFFFFF90];
	p1 =	slt.u32 s16, $0x2600;
	[tilespmem:s15+$0x20] =	vst v1  }
0x3a: {  	v1 =	vld [tilespmem:s17+$0xFFFFFFA0];
	[tilespmem:s15+$0x30] =	vst v2  }
0x3b: {  	v2 =	vld [tilespmem:s17+$0xFFFFFFB0];
	[tilespmem:s15+$0x40] =	vst v3  }
0x3c: {  	v3 =	vld [tilespmem:s17+$0xFFFFFFC0];
	[tilespmem:s15+$0x50] =	vst v4  }
0x3d: {  	v4 =	vld [tilespmem:s17+$0xFFFFFFD0];
	[tilespmem:s15+$0x60] =	vst v5  }
0x3e: {  	v5 =	vld [tilespmem:s17+$0xFFFFFFE0]  }
0x3f: {  	v7 =	vld [tilespmem:s17+$0xFFFFFFF0]  }
0x40: {  	v6 =	vld.idx.msk [tilespmem:v6+s3+$0x0], $0xffff  }
0x41: {  	v8 =	vld [tilespmem:s17+$0x0]  }
0x42: {  	v9 =	vld [tilespmem:s17+$0x10]  }
0x43: {  	v10 =	vld [tilespmem:s17+$0x20]  }
0x44: {  	v11 =	vld [tilespmem:s17+$0x30]  }
0x45: {  	s15 =	sadd.s32 $0x100, s15;
	v12 =	vld [tilespmem:s17+$0x40]  }
0x46: {  	v13 =	vld [tilespmem:s17+$0x50];
	[tilespmem:s15+$0x70] =	vst v6  }
0x47: {  	v6 =	vld [tilespmem:s17+$0x60]  }
0x48: {  	v14 =	vld [tilespmem:s17+$0xFFFFFF80]  }
0x49: {  	v0 =	vld.idx.msk [tilespmem:v0+s3+$0x0], $0xffff  }
0x4a: {  	v1 =	vld.idx.msk [tilespmem:v1+s3+$0x0], $0xffff  }
0x4b: {  	v2 =	vld.idx.msk [tilespmem:v2+s3+$0x0], $0xffff  }
0x4c: {  	v3 =	vld.idx.msk [tilespmem:v3+s3+$0x0], $0xffff  }
0x4d: {  	v4 =	vld.idx.msk [tilespmem:v4+s3+$0x0], $0xffff  }
0x4e: {  	v5 =	vld.idx.msk [tilespmem:v5+s3+$0x0], $0xffff  }
0x4f: {  	[tilespmem:s15+$0xFFFFFF90] =	vst v0;
	v7 =	vld.idx.msk [tilespmem:v7+s3+$0x0], $0xffff  }
0x50: {  	v14 =	vld.idx.msk [tilespmem:v14+s3+$0x0], $0xffff;
	[tilespmem:s15+$0xFFFFFFA0] =	vst v1  }
0x51: {  	[tilespmem:s15+$0xFFFFFFB0] =	vst v2;
	v8 =	vld.idx.msk [tilespmem:v8+s3+$0x0], $0xffff  }
0x52: {  	[tilespmem:s15+$0xFFFFFFC0] =	vst v3;
	v0 =	vld.idx.msk [tilespmem:v9+s3+$0x0], $0xffff  }
.Ltmp0:
0x53: {  	[tilespmem:s15+$0xFFFFFFD0] =	vst v4;
	v1 =	vld.idx.msk [tilespmem:v10+s3+$0x0], $0xffff;
	(pc) =	sbr.rel @p1 .LBB2_3-.Ltmp0, $4  }
0x54: {  	[tilespmem:s15+$0xFFFFFFE0] =	vst v5;
	v2 =	vld.idx.msk [tilespmem:v11+s3+$0x0], $0xffff  }
0x55: {  	[tilespmem:s15+$0xFFFFFFF0] =	vst v7;
	v3 =	vld.idx.msk [tilespmem:v12+s3+$0x0], $0xffff  }
0x56: {  	[tilespmem:s15+$0xFFFFFF80] =	vst v14;
	v4 =	vld.idx.msk [tilespmem:v13+s3+$0x0], $0xffff  }
0x57: {  	s17 =	sadd.s32 $0x100, s17;
	[tilespmem:s15+$0x0] =	vst v8;
	v5 =	vld.idx.msk [tilespmem:v6+s3+$0x0], $0xffff  }
0x58: {  	[tilespmem:s15+$0x10] =	vst v0  }
0x59: {  	[tilespmem:s15+$0x20] =	vst v1  }
0x5a: {  	[tilespmem:s15+$0x30] =	vst v2  }
0x5b: {  	[tilespmem:s15+$0x40] =	vst v3  }
0x5c: {  	[tilespmem:s15+$0x50] =	vst v4  }
0x5d: {  	[tilespmem:s15+$0x60] =	vst v5  }
0x5e: {  	v0 =	vld [tilespmem:$0x1AE00];
	_ =	sdelay $0x7  }
0x5f: {  	v0 =	vld.idx.msk [tilespmem:v0+s3+$0x0], $0xffff;
	_ =	sdelay $0x4  }
0x60: {  	s16 =	simm.s32 @p0 $0x0;
	s17 =	simm.s32 @p0 $0x1AE80;
	s15 =	sadd.s32 @p0 s5, s14;
	[tilespmem:$0x1D580] =	vst v0  }
0x61: {  	[hbm4b:s15+s16] =	stream.linear.scatter @p0 [tilespmem:s17], [sflag:$0x1], $0x2710, $0x38;
	[tilespmem:$0x1D600] =	vst v63  }
0x62: {  	s15 =	simm.s32 @p0 $0x1  }
0x63: {  	s13 =	sadd.s32 $0x1, s13;
	_ =	swait.ge @p0 [sflag:s15], $0x2710  }
0x64: {  	p1 =	sne.s32 s13, $0x14;
	s14 =	sadd.s32 @!p0 s4, s14;
	[sflag:s15] =	ssyncset.done @p0 $0x0  }
0x65: {  	s16 =	simm.s32 @!p0 $0x1AE80;
	[sflag:s15] =	ssyncadd.s32 @p0 $0xFFFFD8F0;
	s15 =	simm.s32 @!p0 $0x0  }
0x66: {  	[hbm4b:s14+s15] =	stream.linear.scatter @!p0 [tilespmem:s16], [sflag:$0x2], $0x2710, $0x38;
	[tilespmem:$0x1D600] =	vst v63  }
.Ltmp1:
0x67: {  	_ = 	snop;
	(pc) =	sbr.rel @p1 .LBB2_2-.Ltmp1, $4  }
0x68: {  	s14 =	simm.s32 @!p0 $0x2  }
0x69: {  	_ =	swait.ge @!p0 [sflag:s14], $0x2710  }
0x6a: {  	[sflag:s14] =	ssyncset.done @!p0 $0x0  }
0x6b: {  	[sflag:s14] =	ssyncadd.s32 @!p0 $0xFFFFD8F0  }
0x6c: {  	s12 =	sadd.s32 $0x1, s12  }
0x6d: {  	p1 =	sne.s32 s12, s7  }
.Ltmp2:
0x6e: {  	_ = 	snop;
	(pc) =	sbr.rel @p1 .LBB2_1-.Ltmp2, $1  }
0x6f: {  	_ =	sdelay $0x3  }
0x70: {  	_ =	sfence.sel $0x180000  }
0x71: {  	[bflag:$0x0] =	sbarrier.arrive $0xFFFF  }
0x72: {  	p0 =	sne.s32 s2, $0x0;
	_ =	strace $0x90000047  }
0x73: {  	s0 =	sadd.s32 @!p0 $0x100000, s0;
	[bflag:$0x2] =	sbarrier.arrive $0xFFFF  }
0x74: {  	[sflag:s0] =	ssyncadd.tile.s32 @!p0 $0x1;
	_ =	shalt  }
.Lfunc_end2:
_tile_overlayer_lowered:
.L_overlay_start_2:
0x75: {  	(tag) =	ssettag $0x2  }
0x76: {  	s0 =	rddreg [dreg:$0x0];
	s2 =	stileid.u32  }
0x77: {  	s1 =	rddreg [dreg:$0x1];
	p0 =	sne.s32 s2, $0x0  }
0x78: {  	s3 =	rddreg [dreg:$0x2];
	[bflag:$0x3] =	sbarrier.arrive $0xFFFF;
	s2 =	simm.s32 @!p0 $0x1C01  }
0x79: {  	[timem:s3], [sflag:s2] =	dma.local @!p0 [hbm:s0], s1  }
0x7a: {  	s0 =	simm.s32 @!p0 $0x1  }
0x7b: {  	_ =	swait.ge @!p0 [sflag:s0], s1  }
0x7c: {  	s1 =	ssub.s32 @!p0 $0x0, s1;
	[sflag:s0] =	ssyncset.done @!p0 $0x0  }
0x7d: {  	[sflag:s0] =	ssyncadd.s32 @!p0 s1  }
0x7e: {  	[bflag:$0x3] =	sbarrier.arrive $0xFFFF  }
0x7f: {  	_ =	shalt  }

</sc_bundles>
